<compile_context>
chip_gen: v7x
topology: tpu7x:2x2x1
jax: 0.10.2.dev20260603
libtpu: 0.0.44.dev20260713+nightly
codegen_flags: <defaults>
</compile_context>

<pallas_src>
import jax
import jax.numpy as jnp
from jax import lax
from jax.experimental import pallas as pl
from jax.experimental.pallas import tpu as pltpu
from jax.experimental.pallas import tpu_sc as plsc

HIDDEN = 4096
PLEN = 10
BATCH = 4
D = HIDDEN * PLEN

_info = plsc.get_sparse_core_info()
NC, NS = _info.num_cores, _info.num_subcores
NW = NC * NS
CHUNK = D // NW
IDXPAD = 8


def _sc_body(w_hbm, idx_hbm, outa_hbm, outb_hbm, idx_v, rows_v, sem):
    wid = lax.axis_index("s") * NC + lax.axis_index("c")
    pltpu.sync_copy(idx_hbm.at[wid, pl.ds(0, BATCH)], idx_v)
    pltpu.async_copy(w_hbm.at[idx_v], rows_v, sem).wait()
    base = wid * CHUNK
    c1 = pltpu.async_copy(rows_v, outa_hbm.at[:, pl.ds(base, CHUNK)], sem)
    c2 = pltpu.async_copy(rows_v.at[0], outb_hbm.at[pl.ds(base, CHUNK)], sem)
    c1.wait()
    c2.wait()


def kernel(mode_embeddings_weight, mode_idx, batch_size):
    del batch_size
    w_r = mode_embeddings_weight.reshape(NW * 8, CHUNK)
    idx = jnp.asarray(mode_idx, jnp.int32) * NW + jnp.arange(NW, dtype=jnp.int32)
    idx_pad = jnp.broadcast_to(idx[:, None], (NW, IDXPAD))

    mesh = plsc.VectorSubcoreMesh(core_axis_name="c", subcore_axis_name="s")
    outa, outb = pl.kernel(
        _sc_body,
        mesh=mesh,
        out_type=[
            jax.ShapeDtypeStruct((BATCH, D), jnp.float32),
            jax.ShapeDtypeStruct((D,), jnp.float32),
        ],
        scratch_types=[
            pltpu.VMEM((BATCH,), jnp.int32),
            pltpu.VMEM((BATCH, CHUNK), jnp.float32),
            pltpu.SemaphoreType.DMA,
        ],
    )(w_r, idx_pad)
    return outa.reshape(BATCH, PLEN, HIDDEN), outb.reshape(1, D)

# --- scband reference (transcript-rebuilt; emitter-appended) ---
"""Pipeline reference for scband-retrieval-prompt-generator-25838523253425 (READ-ONLY COPY).

The authoritative reference and input builder live on the scoring server;
editing this copy changes nothing except your own understanding.
"""

import jax, jax.numpy as jnp
import numpy as np

HIDDEN_SIZE = 4096
PROMPT_LENGTH = 10
NUM_MODES = 8

# mode string 'text->image' maps to index 4 in the module's mode_mapping;
# the string->int lookup is pure Python control flow, so we pass the int index.

def setup_inputs(seed: int = 0) -> dict:
    key = jax.random.key(seed)
    mode_embeddings_weight = jax.random.normal(
        key, (NUM_MODES, HIDDEN_SIZE * PROMPT_LENGTH), dtype=jnp.float32) * 0.02
    return {
        "mode_embeddings_weight": mode_embeddings_weight,
        "mode_idx": 4,          # 'text->image'
        "batch_size": 4,
    }


def reference(mode_embeddings_weight, mode_idx, batch_size):
    # mode_embed = self.mode_embeddings(torch.tensor([mode_idx]))
    mode_embed = jnp.take(mode_embeddings_weight, jnp.array([mode_idx]), axis=0)  # (1, H*P)
    # prompt_embed = mode_embed.view(1, prompt_length, hidden_size)
    prompt_embed = mode_embed.reshape(1, PROMPT_LENGTH, HIDDEN_SIZE)
    # prompt_embed.repeat(batch_size, 1, 1)
    STATIC_BATCH_SIZE = 4
    prompt_embed = jnp.tile(prompt_embed, (STATIC_BATCH_SIZE, 1, 1))
    bs = jnp.asarray(batch_size)
    prompt_embed = prompt_embed * (bs // bs).astype(prompt_embed.dtype)
    return (prompt_embed, mode_embed)

if __name__ == "__main__":
    import jax
    _d = setup_inputs()
    print(jax.jit(kernel)(*tuple(_d.values())))

</pallas_src>

<mosaic_0001>
#map = affine_map<(d0, d1) -> (0, 0)>
#map1 = affine_map<(d0, d1) -> (0)>
module attributes {stable_mosaic.version = 14 : i64} {
  func.func @_sc_body(%arg0: i32, %arg1: i32, %arg2: memref<256x1280xf32, #tpu.memory_space<hbm>>, %arg3: memref<32x8xi32, #tpu.memory_space<hbm>>, %arg4: memref<4x40960xf32, #tpu.memory_space<hbm>>, %arg5: memref<40960xf32, #tpu.memory_space<hbm>>, %arg6: memref<4xi32, #tpu.memory_space<vmem>>, %arg7: memref<4x1280xf32, #tpu.memory_space<vmem>>, %arg8: memref<!tpu.dma_semaphore, #tpu.memory_space<semaphore_mem>>) attributes {dimension_semantics = [#tpu.dimension_semantics<core_parallel>, #tpu.dimension_semantics<subcore_parallel>], iteration_bounds = array<i64: 2, 16>, scalar_prefetch = 0 : i64, scratch_operands = 3 : i64, tpu.core_type = #tpu.core_type<sc_vector_subcore>, window_params = [{transform_indices = #map}, {transform_indices = #map}, {transform_indices = #map}, {transform_indices = #map1}]} {
    %mul3A = arith.constant 2 : i32
    %mul3A_0 = arith.muli %arg1, %mul3A : i32
    %add3A = arith.addi %mul3A_0, %arg0 : i32
    "tpu.region"() ({
      %run_scoped3A = tpu.sem_alloc : memref<!tpu.dma_semaphore, #tpu.memory_space<semaphore_mem>>
      %dma_start3A_33 = arith.constant 0 : i32
      %dma_start3A_34 = tpu.memref_slice %arg3[%add3A, %dma_start3A_33] : memref<32x8xi32, #tpu.memory_space<hbm>> -> memref<1x4xi32, #tpu.memory_space<hbm>>
      %dma_start3A_35 = tpu.memref_squeeze %dma_start3A_34 : memref<1x4xi32, #tpu.memory_space<hbm>> -> memref<4xi32, #tpu.memory_space<hbm>>
      %dma_start3A_36 = arith.constant 0 : i32
      %dma_start3A_37 = tpu.memref_slice %arg3[%add3A, %dma_start3A_36] : memref<32x8xi32, #tpu.memory_space<hbm>> -> memref<1x4xi32, #tpu.memory_space<hbm>>
      %dma_start3A_38 = tpu.memref_squeeze %dma_start3A_37 : memref<1x4xi32, #tpu.memory_space<hbm>> -> memref<4xi32, #tpu.memory_space<hbm>>
      tpu.enqueue_dma source(%dma_start3A_38 : memref<4xi32, #tpu.memory_space<hbm>>) target(%arg6 : memref<4xi32, #tpu.memory_space<vmem>>) target_semaphore(%run_scoped3A : memref<!tpu.dma_semaphore, #tpu.memory_space<semaphore_mem>>)
      %dma_wait3A_39 = arith.constant 0 : i32
      %dma_wait3A_40 = tpu.memref_slice %arg3[%add3A, %dma_wait3A_39] : memref<32x8xi32, #tpu.memory_space<hbm>> -> memref<1x4xi32, #tpu.memory_space<hbm>>
      %dma_wait3A_41 = tpu.memref_squeeze %dma_wait3A_40 : memref<1x4xi32, #tpu.memory_space<hbm>> -> memref<4xi32, #tpu.memory_space<hbm>>
      %dma_wait3A_42 = arith.constant 0 : i32
      %dma_wait3A_43 = tpu.memref_slice %arg3[%add3A, %dma_wait3A_42] : memref<32x8xi32, #tpu.memory_space<hbm>> -> memref<1x4xi32, #tpu.memory_space<hbm>>
      %dma_wait3A_44 = tpu.memref_squeeze %dma_wait3A_43 : memref<1x4xi32, #tpu.memory_space<hbm>> -> memref<4xi32, #tpu.memory_space<hbm>>
      tpu.wait_dma2 semaphore(%run_scoped3A : memref<!tpu.dma_semaphore, #tpu.memory_space<semaphore_mem>>) src(%dma_wait3A_44 : memref<4xi32, #tpu.memory_space<hbm>>) dst(%arg6 : memref<4xi32, #tpu.memory_space<vmem>>)
      tpu.yield
    }) : () -> ()
    %dma_start3A = arith.constant 0 : i32
    %dma_start3A_1 = arith.constant 0 : i32
    %dma_start3A_2 = tpu.memref_slice %arg2[%dma_start3A, %dma_start3A_1] : memref<256x1280xf32, #tpu.memory_space<hbm>> -> memref<256x1280xf32, #tpu.memory_space<hbm>>
    tpu.enqueue_indirect_dma source(%dma_start3A_2 : memref<256x1280xf32, #tpu.memory_space<hbm>>) target(%arg7 : memref<4x1280xf32, #tpu.memory_space<vmem>>) offsets(%arg6 : memref<4xi32, #tpu.memory_space<vmem>>) semaphore(%arg8 : memref<!tpu.dma_semaphore, #tpu.memory_space<semaphore_mem>>)
    %dma_wait3A = arith.constant 0 : i32
    %dma_wait3A_3 = arith.constant 0 : i32
    %dma_wait3A_4 = tpu.memref_slice %arg2[%dma_wait3A, %dma_wait3A_3] : memref<256x1280xf32, #tpu.memory_space<hbm>> -> memref<256x1280xf32, #tpu.memory_space<hbm>>
    tpu.wait_indirect_dma semaphore(%arg8 : memref<!tpu.dma_semaphore, #tpu.memory_space<semaphore_mem>>) src(%dma_wait3A_4 : memref<256x1280xf32, #tpu.memory_space<hbm>>) dst(%arg7 : memref<4x1280xf32, #tpu.memory_space<vmem>>)
    %mul3A_5 = arith.constant 1280 : i32
    %mul3A_6 = arith.muli %add3A, %mul3A_5 : i32
    %dma_start3A_7 = arith.constant 0 : i32
    %dma_start3A_8 = tpu.memref_slice %arg4[%dma_start3A_7, %mul3A_6] : memref<4x40960xf32, #tpu.memory_space<hbm>> -> memref<4x1280xf32, #tpu.memory_space<hbm>>
    %dma_start3A_9 = arith.constant 0 : i32
    %dma_start3A_10 = tpu.memref_slice %arg4[%dma_start3A_9, %mul3A_6] : memref<4x40960xf32, #tpu.memory_space<hbm>> -> memref<4x1280xf32, #tpu.memory_space<hbm>>
    tpu.enqueue_dma source(%arg7 : memref<4x1280xf32, #tpu.memory_space<vmem>>) target(%dma_start3A_10 : memref<4x1280xf32, #tpu.memory_space<hbm>>) target_semaphore(%arg8 : memref<!tpu.dma_semaphore, #tpu.memory_space<semaphore_mem>>)
    %dma_start3A_11 = arith.constant 0 : i32
    %dma_start3A_12 = arith.constant 0 : i32
    %dma_start3A_13 = tpu.memref_slice %arg7[%dma_start3A_11, %dma_start3A_12] : memref<4x1280xf32, #tpu.memory_space<vmem>> -> memref<1x1280xf32, #tpu.memory_space<vmem>>
    %dma_start3A_14 = tpu.memref_squeeze %dma_start3A_13 : memref<1x1280xf32, #tpu.memory_space<vmem>> -> memref<1280xf32, #tpu.memory_space<vmem>>
    %dma_start3A_15 = tpu.memref_slice %arg5[%mul3A_6] : memref<40960xf32, #tpu.memory_space<hbm>> -> memref<1280xf32, #tpu.memory_space<hbm>>
    %dma_start3A_16 = tpu.memref_slice %arg5[%mul3A_6] : memref<40960xf32, #tpu.memory_space<hbm>> -> memref<1280xf32, #tpu.memory_space<hbm>>
    %dma_start3A_17 = arith.constant 0 : i32
    %dma_start3A_18 = tpu.memref_slice %arg7[%dma_start3A_11, %dma_start3A_17] : memref<4x1280xf32, #tpu.memory_space<vmem>> -> memref<1x1280xf32, #tpu.memory_space<vmem>>
    %dma_start3A_19 = tpu.memref_squeeze %dma_start3A_18 : memref<1x1280xf32, #tpu.memory_space<vmem>> -> memref<1280xf32, #tpu.memory_space<vmem>>
    tpu.enqueue_dma source(%dma_start3A_19 : memref<1280xf32, #tpu.memory_space<vmem>>) target(%dma_start3A_16 : memref<1280xf32, #tpu.memory_space<hbm>>) target_semaphore(%arg8 : memref<!tpu.dma_semaphore, #tpu.memory_space<semaphore_mem>>)
    %dma_wait3A_20 = arith.constant 0 : i32
    %dma_wait3A_21 = tpu.memref_slice %arg4[%dma_wait3A_20, %mul3A_6] : memref<4x40960xf32, #tpu.memory_space<hbm>> -> memref<4x1280xf32, #tpu.memory_space<hbm>>
    %dma_wait3A_22 = arith.constant 0 : i32
    %dma_wait3A_23 = tpu.memref_slice %arg4[%dma_wait3A_22, %mul3A_6] : memref<4x40960xf32, #tpu.memory_space<hbm>> -> memref<4x1280xf32, #tpu.memory_space<hbm>>
    tpu.wait_dma2 semaphore(%arg8 : memref<!tpu.dma_semaphore, #tpu.memory_space<semaphore_mem>>) src(%arg7 : memref<4x1280xf32, #tpu.memory_space<vmem>>) dst(%dma_wait3A_23 : memref<4x1280xf32, #tpu.memory_space<hbm>>)
    %dma_wait3A_24 = arith.constant 0 : i32
    %dma_wait3A_25 = arith.constant 0 : i32
    %dma_wait3A_26 = tpu.memref_slice %arg7[%dma_wait3A_24, %dma_wait3A_25] : memref<4x1280xf32, #tpu.memory_space<vmem>> -> memref<1x1280xf32, #tpu.memory_space<vmem>>
    %dma_wait3A_27 = tpu.memref_squeeze %dma_wait3A_26 : memref<1x1280xf32, #tpu.memory_space<vmem>> -> memref<1280xf32, #tpu.memory_space<vmem>>
    %dma_wait3A_28 = tpu.memref_slice %arg5[%mul3A_6] : memref<40960xf32, #tpu.memory_space<hbm>> -> memref<1280xf32, #tpu.memory_space<hbm>>
    %dma_wait3A_29 = tpu.memref_slice %arg5[%mul3A_6] : memref<40960xf32, #tpu.memory_space<hbm>> -> memref<1280xf32, #tpu.memory_space<hbm>>
    %dma_wait3A_30 = arith.constant 0 : i32
    %dma_wait3A_31 = tpu.memref_slice %arg7[%dma_wait3A_24, %dma_wait3A_30] : memref<4x1280xf32, #tpu.memory_space<vmem>> -> memref<1x1280xf32, #tpu.memory_space<vmem>>
    %dma_wait3A_32 = tpu.memref_squeeze %dma_wait3A_31 : memref<1x1280xf32, #tpu.memory_space<vmem>> -> memref<1280xf32, #tpu.memory_space<vmem>>
    tpu.wait_dma2 semaphore(%arg8 : memref<!tpu.dma_semaphore, #tpu.memory_space<semaphore_mem>>) src(%dma_wait3A_32 : memref<1280xf32, #tpu.memory_space<vmem>>) dst(%dma_wait3A_29 : memref<1280xf32, #tpu.memory_space<hbm>>)
    return
  }
}

</mosaic_0001>

<sc_bundles>
// kernel: kernel.3.cloned.1.call-start
scs
__scs_entry_jumppad:
0x0: {  	(pc) =	sbr.rel $0x88, $3  }
0x1: {  	(tag) =	ssettag $0x0;
	lr =	simm.s32 $0x1  }
0x2: {  	[smem:$0x3F9F] =	sst lr;
	_ =	strace $0xD0000000  }
0x3: {  	_ = 	snop  }
0x4: {  	_ = 	snop  }
0x5: {  	_ = 	snop  }
0x6: {  	_ = 	snop  }
0x7: {  	_ = 	snop  }
__scs_overlays_trampoline_lowered:
0x8: {  	[smem:$0x3FAE] =	sst s0  }
0x9: {  	[smem:$0x3FAF] =	sst s1  }
0xa: {  	[smem:$0x3FB0] =	sst s2  }
0xb: {  	[smem:$0x3FB1] =	sst s3  }
0xc: {  	[smem:$0x3FB2] =	sst s4  }
0xd: {  	[smem:$0x3FB3] =	sst s5  }
0xe: {  	[smem:$0x3FB4] =	sst s6  }
0xf: {  	[smem:$0x3FB5] =	sst s7  }
0x10: {  	[smem:$0x3FB6] =	sst s8  }
0x11: {  	[smem:$0x3FB7] =	sst s9;
	s0 =	simm.s32 @!p0 $0x0  }
0x12: {  	s1 =	sld [smem:$0x3F9D];
	s0 =	simm.s32 @p0 $0x1  }
0x13: {  	[smem:$0x3FB8] =	sst s0;
	s0 =	simm.s32 @!p1 $0x0  }
0x14: {  	s2 =	sld [smem:$0x3F9C];
	s0 =	simm.s32 @p1 $0x1  }
0x15: {  	[smem:$0x3FB9] =	sst s0;
	s0 =	simm.s32 @!p2 $0x0  }
0x16: {  	s3 =	sld [smem:$0x3FDB];
	s0 =	simm.s32 @p2 $0x1  }
0x17: {  	s4 =	simm.s32 $0x1BF5;
	[smem:$0x3FBB] =	sst s0  }
0x18: {  	s0 =	sld [smem:$0x3F9E];
	_ =	swait.ge [sflag:s4], $0x0  }
0x19: {  	s7 =	sld [smem:$0x3F9F]  }
0x1a: {  	s8 =	sadd.s32 $0xFFFFE003, lr  }
0x1b: {  	s9 =	sadd.s32 $0xFFFFFEF7, lr;
	s5 =	simm.s32 $0xFFFFFFFF;
	p2 =	slt.u32 s8, $0xFFFFF086  }
0x1c: {  	p1 =	slt.u32 s9, $0xF7A;
	s5 =	simm.s32 @!p2 $0x0  }
0x1d: {  	s5 =	simm.s32 @p1 $0x1;
	p0 =	seq.s32 s7, s2  }
0x1e: {  	s7 =	smul.u32 @!p0 $0xF7A, s2;
	p2 =	seq.s32 @!p0 s5, $0x0  }
0x1f: {  	s9 =	smul.u32 $0xF7A, s1;
	s8 =	simm.s32 @!p0 $0x1BF5;
	p2 =	por !p2, p0  }
0x20: {  	[sflag:s8] =	ssyncset.s32 @!p0 $0xFFFFF086;
	s6 =	sadd.s32 @!p0 s3, s7;
	s7 =	simm.s32 @!p0 $0x108  }
0x21: {  	s3 =	sadd.s32 s3, s9;
	s6 =	sadd.s32 @!p0 $0x88, s6;
	s7 =	simm.s32 @p2 $0x1082  }
0x22: {  	[simem:s7], [sflag:s8] =	dma.local @!p0 [hbm:s6], $0xF7A  }
0x23: {  	s9 =	sor.u32 $0xD0000000, s2;
	s6 =	simm.s32 $0x108;
	_ =	swait.ge @!p0 [sflag:s8], $0x0  }
0x24: {  	s3 =	sadd.s32 $0x88, s3;
	s6 =	simm.s32 @!p1 $0x1082;
	[sflag:s4] =	ssyncset.s32 $0xFFFFF086  }
0x25: {  	[simem:s6], [sflag:s4] =	dma.local [hbm:s3], $0xF7A  }
0x26: {  	[smem:$0x3F9F] =	sst s1;
	(tag) =	ssettag s2;
	_ =	strace s9  }
0x27: {  	s1 =	sld [smem:$0x3FAF]  }
0x28: {  	s2 =	sld [smem:$0x3FB0]  }
0x29: {  	s4 =	sld [smem:$0x3FB2]  }
0x2a: {  	p0 =	seq.s32 s5, $0x0;
	s5 =	sld [smem:$0x3FB3]  }
0x2b: {  	s6 =	sld [smem:$0x3FB4]  }
0x2c: {  	s7 =	sld [smem:$0x3FB5]  }
0x2d: {  	s3 =	simm.s32 $0x108;
	s8 =	sld [smem:$0x3FB6]  }
0x2e: {  	s3 =	simm.s32 @!p0 $0x1082;
	s9 =	sld [smem:$0x3FB7]  }
0x2f: {  	lr =	sadd.s32 s0, s3;
	s0 =	sld [smem:$0x3FAE]  }
0x30: {  	s3 =	sld [smem:$0x3FB1]  }
0x31: {  	[smem:$0x3FBA] =	sst s10  }
0x32: {  	s10 =	sld [smem:$0x3FB8];
	_ =	sdelay $0x3  }
0x33: {  	p0 =	seq.s32 s10, $0x1;
	s10 =	sld [smem:$0x3FBA];
	_ =	sdelay $0x3  }
0x34: {  	[smem:$0x3FBA] =	sst s10  }
0x35: {  	s10 =	sld [smem:$0x3FB9];
	_ =	sdelay $0x3  }
0x36: {  	p1 =	seq.s32 s10, $0x1;
	s10 =	sld [smem:$0x3FBA];
	_ =	sdelay $0x3  }
0x37: {  	[smem:$0x3FBA] =	sst s10  }
0x38: {  	s10 =	sld [smem:$0x3FBB]  }
0x39: {  	_ = 	snop;
	(pc) =	sbr.ind lr, $3  }
0x3a: {  	_ = 	snop  }
0x3b: {  	_ = 	snop  }
0x3c: {  	p2 =	seq.s32 s10, $0x1;
	s10 =	sld [smem:$0x3FBA]  }
0x3d: {  	_ =	shalt  }
0x3e: {  	_ =	shalt  }
0x3f: {  	_ =	shalt  }
0x40: {  	_ =	shalt  }
0x41: {  	_ =	shalt  }
0x42: {  	_ =	shalt  }
0x43: {  	_ =	shalt  }
0x44: {  	_ =	shalt  }
0x45: {  	_ =	shalt  }
0x46: {  	_ =	shalt  }
0x47: {  	_ =	shalt  }
0x48: {  	_ =	shalt  }
0x49: {  	_ =	shalt  }
0x4a: {  	_ =	shalt  }
0x4b: {  	_ =	shalt  }
0x4c: {  	_ =	shalt  }
0x4d: {  	_ =	shalt  }
0x4e: {  	_ =	shalt  }
0x4f: {  	_ =	shalt  }
0x50: {  	_ =	shalt  }
0x51: {  	_ =	shalt  }
0x52: {  	_ =	shalt  }
0x53: {  	_ =	shalt  }
0x54: {  	_ =	shalt  }
0x55: {  	_ =	shalt  }
0x56: {  	_ =	shalt  }
0x57: {  	_ =	shalt  }
0x58: {  	_ =	shalt  }
0x59: {  	_ =	shalt  }
0x5a: {  	_ =	shalt  }
0x5b: {  	_ =	shalt  }
0x5c: {  	_ =	shalt  }
0x5d: {  	_ =	shalt  }
0x5e: {  	_ =	shalt  }
0x5f: {  	_ =	shalt  }
0x60: {  	_ =	shalt  }
0x61: {  	_ =	shalt  }
0x62: {  	_ =	shalt  }
0x63: {  	_ =	shalt  }
0x64: {  	_ =	shalt  }
0x65: {  	_ =	shalt  }
0x66: {  	_ =	shalt  }
0x67: {  	_ =	shalt  }
0x68: {  	_ =	shalt  }
0x69: {  	_ =	shalt  }
0x6a: {  	_ =	shalt  }
0x6b: {  	_ =	shalt  }
0x6c: {  	_ =	shalt  }
0x6d: {  	_ =	shalt  }
0x6e: {  	_ =	shalt  }
0x6f: {  	_ =	shalt  }
0x70: {  	_ =	shalt  }
0x71: {  	_ =	shalt  }
0x72: {  	_ =	shalt  }
0x73: {  	_ =	shalt  }
0x74: {  	_ =	shalt  }
0x75: {  	_ =	shalt  }
0x76: {  	_ =	shalt  }
0x77: {  	_ =	shalt  }
0x78: {  	_ =	shalt  }
0x79: {  	_ =	shalt  }
0x7a: {  	_ =	shalt  }
0x7b: {  	_ =	shalt  }
0x7c: {  	_ =	shalt  }
0x7d: {  	_ =	shalt  }
0x7e: {  	_ =	shalt  }
0x7f: {  	_ =	shalt  }
0x80: {  	_ =	shalt  }
0x81: {  	_ =	shalt  }
0x82: {  	_ =	shalt  }
0x83: {  	_ =	shalt  }
0x84: {  	_ =	shalt  }
0x85: {  	_ =	shalt  }
0x86: {  	_ =	shalt  }
0x87: {  	_ =	shalt  }
.Lfunc_end0:
.L_simem_size_0:
called_computation_lowered:
.L_overlay_start_0:
0x88: {  	s2 =	sld [smem:$0x3FD9]  }
0x89: {  	s3 =	sld [smem:$0x3FFE];
	_ =	sdelay $0x1  }
0x8a: {  	s1 =	srdreg.scid  }
0x8b: {  	s0 =	sand.u32 $0x1, s1  }
0x8c: {  	s14 =	sshll.u32 s0, $0xA;
	s2 =	sadd.s32 s3, s2  }
0x8d: {  	s2 =	sadd.s32 s2, s14  }
0x8e: {  	[smem:$0x3FC6] =	sst s2  }
0x8f: {  	_ = 	snop  }
0x90: {  	s2 =	sld [smem:$0x3FD0];
	_ =	sdelay $0x2  }
0x91: {  	s15 =	simm.s32 $0xA;
	s4 =	simm.s32 $0x10  }
0x92: {  	[smem:s4], [sflag:s15] =	dma.local [hbm:s2], $0x1  }
0x93: {  	_ =	swait.eq [sflag:s15], $0x1  }
0x94: {  	[sflag:s15] =	ssyncset.done $0x0  }
0x95: {  	s16 =	sld [smem:$0x10];
	[sflag:s15] =	ssyncadd.s32 $0xFFFFFFFF  }
0x96: {  	s17 =	sld [smem:$0x11];
	(tm) =	ssettm $0x1  }
0x97: {  	s18 =	sld [smem:$0x3FFB];
	_ =	sdelay $0x3  }
0x98: {  	_ =	strace s18  }
0x99: {  	s4 =	sld [smem:$0x3FFC];
	_ =	sdelay $0x3  }
0x9a: {  	_ =	strace s4  }
0x9b: {  	s4 =	sld [smem:$0x3FFD];
	_ =	sdelay $0x3  }
0x9c: {  	_ =	strace s4  }
0x9d: {  	_ =	strace $0x8FFFFFFF  }
0x9e: {  	s19 =	sld [smem:$0x3FDB];
	_ =	sdelay $0x1  }
0x9f: {  	s5 =	simm.s32 $_scs_section_size  }
0xa0: {  	s6 =	simm.s32 $_size__tile_overlayer_lowered;
	s7 =	simm.s32 $_tile_overlayer_lowered  }
0xa1: {  	s22 =	simm.s32 $0x1BFF;
	s21 =	sshll.u32 s7, $0x1;
	s4 =	sadd.s32 s5, s19  }
0xa2: {  	s8 =	simm.s32 $0x0;
	s20 =	sshll.u32 s6, $0x1;
	s6 =	sadd.s32 s21, s4  }
0xa3: {  	[timem:s8], [sflag:s22] =	dma.local [hbm:s6], s20  }
0xa4: {  	_ =	swait.ge [sflag:s22], s20  }
0xa5: {  	s5 =	ssub.s32 $0x0, s20;
	[sflag:s22] =	ssyncset.done $0x0  }
0xa6: {  	[sflag:s22] =	ssyncadd.s32 s5;
	_ =	sdelay $0x1  }
0xa7: {  	s23 =	simm.s32 $0x1B8B  }
0xa8: {  	_ =	swait.ge [sflag:s23], $0x1  }
0xa9: {  	[sflag:s23] =	ssyncset.done $0x0  }
0xaa: {  	s25 =	simm.s32 $0x1B8E;
	s24 =	sld [smem:$0x3FFE];
	[sflag:s23] =	ssyncadd.s32 $0xFFFFFFFF  }
0xab: {  	s26 =	simm.s32 $execute0_lowered;
	[smem:$0x3FD2] =	sst s25  }
0xac: {  	s6 =	sshll.u32 s26, $0x1;
	_ =	strace $0x80000046;
	[dreg:$0x1] =	wrdreg $0xFFFFFFFF  }
0xad: {  	s28 =	simm.s32 $_size_execute0_lowered;
	s4 =	sadd.s32 s4, s6;
	[dreg:$0x0] =	wrdreg $0x0  }
0xae: {  	s6 =	sshll.u32 s28, $0x1;
	[dreg:$0x2] =	wrdreg s4  }
0xaf: {  	[dreg:$0x3] =	wrdreg s6  }
0xb0: {  	[dreg:$0x4] =	wrdreg $0xC0  }
0xb1: {  	_ =	task [dreg:s8], $0x5FFFF  }
0xb2: {  	[dreg:$0x1] =	wrdreg $0xFFFFFFFF  }
0xb3: {  	[dreg:$0x0] =	wrdreg $0x60  }
0xb4: {  	[dreg:$0x2] =	wrdreg s24  }
0xb5: {  	[dreg:$0x3] =	wrdreg s16  }
0xb6: {  	[dreg:$0x4] =	wrdreg s17  }
0xb7: {  	[dreg:$0x5] =	wrdreg $0x9  }
0xb8: {  	_ =	task.clear_ibuf [dreg:s8], $0x6FFFF;
	_ =	strace $0x90000046  }
0xb9: {  	s29 =	simm.s32 $0x9;
	_ =	strace $0x80000048  }
0xba: {  	_ =	swait.ge [sflag:s29], $0x1  }
0xbb: {  	[sflag:s29] =	ssyncadd.s32 $0xFFFFFFFF  }
0xbc: {  	_ =	strace $0x90000048  }
0xbd: {  	_ =	sfence  }
0xbe: {  	s30 =	sld [smem:$0x0];
	_ =	sdelay $0x2  }
0xbf: {  	s31 =	sshll.u32 s1, $0xD;
	s1 =	sshrl.u32 s1, $0x2  }
0xc0: {  	s3 =	sand.u32 $0x4000, s31;
	s1 =	sadd.s32 s1, s30  }
0xc1: {  	s0 =	sor.u32 s3, s0;
	s1 =	sshll.u32 s1, $0x11  }
0xc2: {  	s0 =	sor.u32 s1, s0  }
0xc3: {  	s0 =	sadd.s32 $0x8F2B, s0  }
0xc4: {  	[sflag:s0] =	ssyncadd.remote.s32 $0x1  }
0xc5: {  	_ =	sfence.sel $0xFFFF  }
0xc6: {  	[dreg:$0x0] =	wrdreg $0xFFFFFFFF;
	(pc) =	sbr.abs _section_cstart, $3  }
0xc7: {  	[dreg:$0x1] =	wrdreg $0xFFFFFFFF  }
0xc8: {  	_ =	task.clear_ibuf [dreg:s8], $0x2FFFF;
	_ =	strace $0x9FFFFFFF  }
0xc9: {  	(tm) =	ssettm $0x7FFFFFFF  }
tec
execute0_lowered:
.L_overlay_start_1:
0x0: {  	(tag) =	ssettag $0x1  }
0x1: {  	s1 =	srdreg.scid;
	s0 =	stileid.u32  }
0x2: {  	s9 =	rddreg [dreg:$0x0];
	s29 =	sand.u32 $0x1, s1;
	s26 =	sshll.u32 s0, $0x1  }
0x3: {  	s12 =	rddreg [dreg:$0x1];
	s14 =	sor.u32 s29, s26  }
0x4: {  	s13 =	rddreg [dreg:$0x2];
	s2 =	simm.s32 $0x0;
	s3 =	sshll.u32 s14, $0x4  }
0x5: {  	[smem:$0x7FF] =	sst s2;
	s3 =	sadd.s32 s3, s9  }
0x6: {  	s4 =	simm.s32 $0x2;
	_ =	strace $0x80000047;
	s3 =	sadd.s32 $0xA800, s3  }
0x7: {  	[tilespmem:s2], [sflag:$0x2] =	stream.linear.gather [hbm4b:s3+s2], $0x4, $0x38;
	[tilespmem:$0x1480] =	vst v63  }
0x8: {  	_ =	swait.ge [sflag:s4], $0x4  }
0x9: {  	[sflag:s4] =	ssyncset.done $0x0  }
0xa: {  	[sflag:s4] =	ssyncadd.s32 $0xFFFFFFFC  }
0xb: {  	v0 =	vld.msk [tilespmem:$0x0], $0xf;
	_ =	sdelay $0x4  }
0xc: {  	v1 =	vshrl.u32 v0, $0x3  }
0xd: {  	v1 =	vmul.u32 $0x50, v1  }
0xe: {  	v2 =	vlaneseq.u32;
	v3 =	vand.u32 $0x7, v0  }
0xf: {  	v0 =	vand.u32 $0x3, v2;
	v2 =	vshrl.u32 v2, $0x2;
	v3 =	vor.u32 v3, v1  }
0x10: {  	v1 =	vmul.u32 $0x8, v2;
	v2 =	vperm.xlane v3, v0;
	_ =	sdelay $0x1  }
0x11: {  	v2 =	vadd.s32 v1, v2;
	_ =	sdelay $0x3  }
0x12: {  	vm0 =	vmmov $0xffff;
	s6 =	simm.s32 $0x80;
	s5 =	sadd.s32 $0x800, s9  }
0x13: {  	[tilespmem:s6], [sflag:$0x1] =	stream.indirect_vreg.gather [hbm4b:s5+s2], $0x80, v2, vm0, $0xb8;
	[tilespmem:$0x1480] =	vst v63  }
0x14: {  	s8 =	simm.s32 $0x880;
	s7 =	sadd.s32 $0xA00, s9  }
0x15: {  	[tilespmem:s8], [sflag:$0x1] =	stream.indirect_vreg.gather [hbm4b:s7+s2], $0x80, v2, vm0, $0xb8;
	[tilespmem:$0x1480] =	vst v63  }
0x16: {  	vm1 =	vmmov $0xff;
	s11 =	simm.s32 $0x1080;
	s10 =	simm.s32 $0x1;
	s9 =	sadd.s32 $0xC00, s9  }
0x17: {  	[tilespmem:s11], [sflag:$0x1] =	stream.indirect_vreg.gather [hbm4b:s9+s2], $0x80, v2, vm1, $0xb8;
	[tilespmem:$0x1480] =	vst v63  }
0x18: {  	s15 =	smul.u32 $0x280, s14;
	_ =	swait.ge [sflag:s10], $0x1400  }
0x19: {  	[sflag:s10] =	ssyncset.done $0x0  }
0x1a: {  	s14 =	smul.u32 $0xA0, s14;
	s12 =	sadd.s32 s12, s15;
	[sflag:s10] =	ssyncadd.s32 $0xFFFFEC00  }
0x1b: {  	[hbm4b:s12+s2] =	stream.linear.scatter [tilespmem:s6], [sflag:$0x1], $0x1400, $0x38;
	[tilespmem:$0x1480] =	vst v63  }
0x1c: {  	s13 =	sadd.s32 s13, s14  }
0x1d: {  	[hbm4b:s13+s2] =	stream.linear.scatter [tilespmem:s6], [sflag:$0x1], $0x80, $0x38;
	[tilespmem:$0x1480] =	vst v63  }
0x1e: {  	s15 =	simm.s32 $0x280;
	s14 =	sadd.s32 $0x10, s13  }
0x1f: {  	[hbm4b:s14+s2] =	stream.linear.scatter [tilespmem:s15], [sflag:$0x1], $0x80, $0x38;
	[tilespmem:$0x1480] =	vst v63  }
0x20: {  	s17 =	simm.s32 $0x480;
	s16 =	sadd.s32 $0x20, s13  }
0x21: {  	[hbm4b:s16+s2] =	stream.linear.scatter [tilespmem:s17], [sflag:$0x1], $0x80, $0x38;
	[tilespmem:$0x1480] =	vst v63  }
0x22: {  	s19 =	simm.s32 $0x680;
	s18 =	sadd.s32 $0x30, s13  }
0x23: {  	[hbm4b:s18+s2] =	stream.linear.scatter [tilespmem:s19], [sflag:$0x1], $0x80, $0x38;
	[tilespmem:$0x1480] =	vst v63  }
0x24: {  	s20 =	sadd.s32 $0x40, s13  }
0x25: {  	[hbm4b:s20+s2] =	stream.linear.scatter [tilespmem:s8], [sflag:$0x1], $0x80, $0x38;
	[tilespmem:$0x1480] =	vst v63  }
0x26: {  	s22 =	simm.s32 $0xA80;
	s31 =	ssub.s32 $0x2, s29;
	s21 =	sadd.s32 $0x50, s13  }
0x27: {  	[hbm4b:s21+s2] =	stream.linear.scatter [tilespmem:s22], [sflag:$0x1], $0x80, $0x38;
	[tilespmem:$0x1480] =	vst v63  }
0x28: {  	s24 =	simm.s32 $0xC80;
	s1 =	sshrl.u32 s31, $0x1;
	s23 =	sadd.s32 $0x60, s13  }
0x29: {  	[hbm4b:s23+s2] =	stream.linear.scatter [tilespmem:s24], [sflag:$0x1], $0x80, $0x38;
	[tilespmem:$0x1480] =	vst v63  }
0x2a: {  	s26 =	simm.s32 $0xE80;
	s1 =	ssub.s32 s31, s1;
	s25 =	sadd.s32 $0x70, s13  }
0x2b: {  	[hbm4b:s25+s2] =	stream.linear.scatter [tilespmem:s26], [sflag:$0x1], $0x80, $0x38;
	[tilespmem:$0x1480] =	vst v63  }
0x2c: {  	s1 =	smax.u32 s1, $0x1;
	s28 =	sadd.s32 $0x80, s13  }
0x2d: {  	[hbm4b:s28+s2] =	stream.linear.scatter [tilespmem:s11], [sflag:$0x1], $0x80, $0x38;
	[tilespmem:$0x1480] =	vst v63  }
0x2e: {  	s29 =	simm.s32 $0x1280;
	s30 =	sadd.s32 $0x90, s13;
	p0 =	sne.s32 s1, $0x1  }
0x2f: {  	[hbm4b:s30+s2] =	stream.linear.scatter [tilespmem:s29], [sflag:$0x1], $0x80, $0x38;
	[tilespmem:$0x1480] =	vst v63  }
.Ltmp0:
0x30: {  	_ =	swait.ge [sflag:s10], $0x1400;
	(pc) =	sbr.rel @!p0 .LBB2_2-.Ltmp0, $4  }
0x31: {  	[sflag:s10] =	ssyncset.done $0x0  }
0x32: {  	[sflag:s10] =	ssyncadd.s32 $0xFFFFEC00  }
0x33: {  	_ =	swait.ge [sflag:s10], $0x500  }
0x34: {  	s31 =	sadd.s32 $0xFFFFFFFF, s1;
	[sflag:s10] =	ssyncset.done $0x0  }
.LBB2_1:
0x35: {  	p0 =	sne.s32 s31, $0x1;
	s31 =	sadd.s32 $0xFFFFFFFF, s31;
	[sflag:s10] =	ssyncadd.s32 $0xFFFFFB00  }
0x36: {  	[tilespmem:s2], [sflag:$0x2] =	stream.linear.gather [hbm4b:s3+s2], $0x4, $0x38;
	[tilespmem:$0x1480] =	vst v63  }
0x37: {  	_ =	swait.ge [sflag:s4], $0x4  }
0x38: {  	[sflag:s4] =	ssyncset.done $0x0  }
0x39: {  	[sflag:s4] =	ssyncadd.s32 $0xFFFFFFFC  }
0x3a: {  	v2 =	vld.msk [tilespmem:$0x0], $0xf;
	_ =	sdelay $0x4  }
0x3b: {  	v3 =	vshrl.u32 v2, $0x3  }
0x3c: {  	v3 =	vmul.u32 $0x50, v3  }
0x3d: {  	v2 =	vand.u32 $0x7, v2  }
0x3e: {  	v2 =	vor.u32 v2, v3  }
0x3f: {  	v2 =	vperm.xlane v2, v0;
	_ =	sdelay $0x1  }
0x40: {  	v2 =	vadd.s32 v1, v2;
	_ =	sdelay $0x4  }
0x41: {  	[tilespmem:s6], [sflag:$0x1] =	stream.indirect_vreg.gather [hbm4b:s5+s2], $0x80, v2, vm0, $0xb8;
	[tilespmem:$0x1480] =	vst v63  }
0x42: {  	_ = 	snop  }
0x43: {  	[tilespmem:s8], [sflag:$0x1] =	stream.indirect_vreg.gather [hbm4b:s7+s2], $0x80, v2, vm0, $0xb8;
	[tilespmem:$0x1480] =	vst v63  }
0x44: {  	_ = 	snop  }
0x45: {  	[tilespmem:s11], [sflag:$0x1] =	stream.indirect_vreg.gather [hbm4b:s9+s2], $0x80, v2, vm1, $0xb8;
	[tilespmem:$0x1480] =	vst v63  }
0x46: {  	_ =	swait.ge [sflag:s10], $0x1400  }
0x47: {  	[sflag:s10] =	ssyncset.done $0x0  }
0x48: {  	[sflag:s10] =	ssyncadd.s32 $0xFFFFEC00  }
0x49: {  	[hbm4b:s12+s2] =	stream.linear.scatter [tilespmem:s6], [sflag:$0x1], $0x1400, $0x38;
	[tilespmem:$0x1480] =	vst v63  }
0x4a: {  	_ = 	snop  }
0x4b: {  	[hbm4b:s13+s2] =	stream.linear.scatter [tilespmem:s6], [sflag:$0x1], $0x80, $0x38;
	[tilespmem:$0x1480] =	vst v63  }
0x4c: {  	_ = 	snop  }
0x4d: {  	[hbm4b:s14+s2] =	stream.linear.scatter [tilespmem:s15], [sflag:$0x1], $0x80, $0x38;
	[tilespmem:$0x1480] =	vst v63  }
0x4e: {  	_ = 	snop  }
0x4f: {  	[hbm4b:s16+s2] =	stream.linear.scatter [tilespmem:s17], [sflag:$0x1], $0x80, $0x38;
	[tilespmem:$0x1480] =	vst v63  }
0x50: {  	_ = 	snop  }
0x51: {  	[hbm4b:s18+s2] =	stream.linear.scatter [tilespmem:s19], [sflag:$0x1], $0x80, $0x38;
	[tilespmem:$0x1480] =	vst v63  }
0x52: {  	_ = 	snop  }
0x53: {  	[hbm4b:s20+s2] =	stream.linear.scatter [tilespmem:s8], [sflag:$0x1], $0x80, $0x38;
	[tilespmem:$0x1480] =	vst v63  }
0x54: {  	_ = 	snop  }
0x55: {  	[hbm4b:s21+s2] =	stream.linear.scatter [tilespmem:s22], [sflag:$0x1], $0x80, $0x38;
	[tilespmem:$0x1480] =	vst v63  }
0x56: {  	_ = 	snop  }
0x57: {  	[hbm4b:s23+s2] =	stream.linear.scatter [tilespmem:s24], [sflag:$0x1], $0x80, $0x38;
	[tilespmem:$0x1480] =	vst v63  }
0x58: {  	_ = 	snop  }
0x59: {  	[hbm4b:s25+s2] =	stream.linear.scatter [tilespmem:s26], [sflag:$0x1], $0x80, $0x38;
	[tilespmem:$0x1480] =	vst v63  }
0x5a: {  	_ = 	snop  }
0x5b: {  	[hbm4b:s28+s2] =	stream.linear.scatter [tilespmem:s11], [sflag:$0x1], $0x80, $0x38;
	[tilespmem:$0x1480] =	vst v63  }
0x5c: {  	_ = 	snop  }
0x5d: {  	[hbm4b:s30+s2] =	stream.linear.scatter [tilespmem:s29], [sflag:$0x1], $0x80, $0x38;
	[tilespmem:$0x1480] =	vst v63  }
.Ltmp1:
0x5e: {  	_ =	swait.ge [sflag:s10], $0x1400;
	(pc) =	sbr.rel @p0 .LBB2_1-.Ltmp1, $4  }
0x5f: {  	[sflag:s10] =	ssyncset.done $0x0  }
0x60: {  	[sflag:s10] =	ssyncadd.s32 $0xFFFFEC00  }
0x61: {  	_ =	swait.ge [sflag:s10], $0x500  }
0x62: {  	[sflag:s10] =	ssyncset.done $0x0  }
.LBB2_2:
0x63: {  	[sflag:s10] =	ssyncadd.s32 $0xFFFFFB00  }
0x64: {  	_ =	sfence.sel $0x180000  }
0x65: {  	[bflag:$0x0] =	sbarrier.arrive $0xFFFF  }
0x66: {  	_ =	strace $0x90000047  }
0x67: {  	[bflag:$0x2] =	sbarrier.arrive $0xFFFF  }
0x68: {  	p0 =	sne.s32 s0, $0x0;
	s0 =	rddreg [dreg:$0x3]  }
0x69: {  	s0 =	sadd.s32 @!p0 $0x100000, s0  }
0x6a: {  	[sflag:s0] =	ssyncadd.tile.s32 @!p0 $0x1;
	_ =	shalt  }
.Lfunc_end2:
_tile_overlayer_lowered:
.L_overlay_start_2:
0x6b: {  	(tag) =	ssettag $0x2  }
0x6c: {  	s0 =	rddreg [dreg:$0x0];
	s2 =	stileid.u32  }
0x6d: {  	s1 =	rddreg [dreg:$0x1];
	p0 =	sne.s32 s2, $0x0  }
0x6e: {  	s3 =	rddreg [dreg:$0x2];
	[bflag:$0x3] =	sbarrier.arrive $0xFFFF;
	s2 =	simm.s32 @!p0 $0x1C02  }
0x6f: {  	[timem:s3], [sflag:s2] =	dma.local @!p0 [hbm:s0], s1  }
0x70: {  	s0 =	simm.s32 @!p0 $0x2  }
0x71: {  	_ =	swait.ge @!p0 [sflag:s0], s1  }
0x72: {  	s1 =	ssub.s32 @!p0 $0x0, s1;
	[sflag:s0] =	ssyncset.done @!p0 $0x0  }
0x73: {  	[sflag:s0] =	ssyncadd.s32 @!p0 s1  }
0x74: {  	[bflag:$0x3] =	sbarrier.arrive $0xFFFF  }
0x75: {  	_ =	shalt  }

</sc_bundles>
